<compile_context>
chip_gen: v7x
topology: tpu7x:2x2x1
jax: 0.10.2.dev20260603
libtpu: 0.0.44.dev20260713+nightly
codegen_flags: <defaults>
</compile_context>

<pallas_src>
import functools

import jax
import jax.numpy as jnp
from jax import lax
from jax.experimental import pallas as pl
from jax.experimental.pallas import tpu as pltpu
from jax.experimental.pallas import tpu_sc as plsc


def kernel(nodes, table):
    B, = nodes.shape
    V, D = table.shape
    nodes32 = nodes.astype(jnp.int32)
    tableT = table.T

    info = plsc.get_sparse_core_info()
    NC, NS, L = info.num_cores, info.num_subcores, info.num_lanes
    NW = NC * NS
    assert D % NW == 0
    d_per_w = D // NW
    assert d_per_w == 2

    VH0 = 49920
    VH1 = V - VH0

    mesh = plsc.VectorSubcoreMesh(core_axis_name="c", subcore_axis_name="s")

    @functools.partial(
        pl.kernel,
        mesh=mesh,
        out_type=jax.ShapeDtypeStruct((D, B), jnp.float32),
        scratch_types=[
            pltpu.VMEM((B,), jnp.int32),
            pltpu.VMEM((VH0,), jnp.float32),
            pltpu.VMEM((VH1,), jnp.float32),
            pltpu.VMEM((B,), jnp.float32),
            pltpu.VMEM((B,), jnp.float32),
            pltpu.SemaphoreType.DMA,
            pltpu.SemaphoreType.DMA,
            pltpu.SemaphoreType.DMA,
            pltpu.SemaphoreType.DMA,
        ],
        compiler_params=pltpu.CompilerParams(needs_layout_passes=False),
    )
    def gather_k(tableT_hbm, idx_hbm, outT_hbm, idx_v, buf_a, buf_b,
                 out0_v, out1_v, sem_i, sem_a, sem_b, sem_s):
        wid = lax.axis_index("s") * NC + lax.axis_index("c")
        j0 = wid * d_per_w
        j1 = j0 + 1
        cp_idx = pltpu.async_copy(idx_hbm, idx_v, sem_i)
        a0 = pltpu.async_copy(tableT_hbm.at[j0, pl.ds(0, VH0)], buf_a, sem_a)
        b0 = pltpu.async_copy(
            tableT_hbm.at[j0, pl.ds(VH0, VH1)], buf_b, sem_b
        )
        cp_idx.wait()

        def pass0(out_ref):
            def body(c, _):
                iv = idx_v[pl.ds(c * L, L)]
                i0 = jnp.minimum(iv, VH0 - 1)
                out_ref[pl.ds(c * L, L)] = plsc.load_gather(buf_a, [i0])
                return ()

            lax.fori_loop(0, B // L, body, (), unroll=4)

        def pass1(out_ref):
            def body(c, _):
                iv = idx_v[pl.ds(c * L, L)]
                i1 = jnp.maximum(iv - VH0, 0)
                v1 = plsc.load_gather(buf_b, [i1])
                prev = out_ref[pl.ds(c * L, L)]
                out_ref[pl.ds(c * L, L)] = jnp.where(iv >= VH0, v1, prev)
                return ()

            lax.fori_loop(0, B // L, body, (), unroll=4)

        a0.wait()
        pass0(out0_v)
        a1 = pltpu.async_copy(tableT_hbm.at[j1, pl.ds(0, VH0)], buf_a, sem_a)
        b0.wait()
        pass1(out0_v)
        b1 = pltpu.async_copy(
            tableT_hbm.at[j1, pl.ds(VH0, VH1)], buf_b, sem_b
        )
        st0 = pltpu.async_copy(out0_v, outT_hbm.at[j0], sem_s)
        a1.wait()
        pass0(out1_v)
        b1.wait()
        pass1(out1_v)
        st0.wait()
        pltpu.sync_copy(out1_v, outT_hbm.at[j1])

    outT = gather_k(tableT, nodes32)
    return outT.T

# --- scband reference (transcript-rebuilt; emitter-appended) ---
"""Pipeline reference for scband-tree-leaves-encoder-38491496907177 (READ-ONLY COPY).

The authoritative reference and input builder live on the scoring server;
editing this copy changes nothing except your own understanding.
"""

import jax, jax.numpy as jnp
import numpy as np

NUM_LEAVES = 100000
EMBED_DIM = 64
BATCH = 4096

def setup_inputs(seed: int = 0) -> dict:
    key = jax.random.key(seed)
    k1, k2 = jax.random.split(key)
    # ParameterDict of per-leaf embeddings, initialized as torch.rand(embedding_size)*0.001,
    # materialized as a dense [num_leaves, embed_dim] table (rows keyed by leaf index).
    table = jax.random.uniform(k1, (NUM_LEAVES, EMBED_DIM), dtype=jnp.float32) * 0.001
    nodes = jax.random.randint(k2, (BATCH,), 0, NUM_LEAVES, dtype=jnp.int64)
    return {"nodes": nodes, "table": table}

def reference(nodes, table):
    # torch.stack([self.tree_leaves_emb[s] for s in nodes], dim=0)
    # == row gather from the leaf-embedding table
    return jnp.take(table, nodes, axis=0)

if __name__ == "__main__":
    import jax
    _d = setup_inputs()
    print(jax.jit(kernel)(*tuple(_d.values())))

</pallas_src>

<mosaic_0001>
#map = affine_map<(d0, d1) -> (0, 0)>
#map1 = affine_map<(d0, d1) -> (0)>
module attributes {stable_mosaic.version = 14 : i64} {
  func.func @gather_k(%arg0: i32, %arg1: i32, %arg2: memref<64x100000xf32, #tpu.memory_space<hbm>>, %arg3: memref<4096xi32, #tpu.memory_space<hbm>>, %arg4: memref<64x4096xf32, #tpu.memory_space<hbm>>, %arg5: memref<4096xi32, #tpu.memory_space<vmem>>, %arg6: memref<49920xf32, #tpu.memory_space<vmem>>, %arg7: memref<50080xf32, #tpu.memory_space<vmem>>, %arg8: memref<4096xf32, #tpu.memory_space<vmem>>, %arg9: memref<4096xf32, #tpu.memory_space<vmem>>, %arg10: memref<!tpu.dma_semaphore, #tpu.memory_space<semaphore_mem>>, %arg11: memref<!tpu.dma_semaphore, #tpu.memory_space<semaphore_mem>>, %arg12: memref<!tpu.dma_semaphore, #tpu.memory_space<semaphore_mem>>, %arg13: memref<!tpu.dma_semaphore, #tpu.memory_space<semaphore_mem>>) attributes {dimension_semantics = [#tpu.dimension_semantics<core_parallel>, #tpu.dimension_semantics<subcore_parallel>], iteration_bounds = array<i64: 2, 16>, scalar_prefetch = 0 : i64, scratch_operands = 9 : i64, tpu.core_type = #tpu.core_type<sc_vector_subcore>, window_params = [{transform_indices = #map}, {transform_indices = #map1}, {transform_indices = #map}]} {
    %mul3A = arith.constant 2 : i32
    %mul3A_0 = arith.muli %arg1, %mul3A : i32
    %add3A = arith.addi %mul3A_0, %arg0 : i32
    %mul3A_1 = arith.constant 2 : i32
    %mul3A_2 = arith.muli %add3A, %mul3A_1 : i32
    %add3A_3 = arith.constant 1 : i32
    %add3A_4 = arith.addi %mul3A_2, %add3A_3 : i32
    tpu.enqueue_dma source(%arg3 : memref<4096xi32, #tpu.memory_space<hbm>>) target(%arg5 : memref<4096xi32, #tpu.memory_space<vmem>>) target_semaphore(%arg10 : memref<!tpu.dma_semaphore, #tpu.memory_space<semaphore_mem>>)
    %dma_start3A = arith.constant 0 : i32
    %dma_start3A_5 = tpu.memref_slice %arg2[%mul3A_2, %dma_start3A] : memref<64x100000xf32, #tpu.memory_space<hbm>> -> memref<1x49920xf32, #tpu.memory_space<hbm>>
    %dma_start3A_6 = tpu.memref_squeeze %dma_start3A_5 : memref<1x49920xf32, #tpu.memory_space<hbm>> -> memref<49920xf32, #tpu.memory_space<hbm>>
    %dma_start3A_7 = arith.constant 0 : i32
    %dma_start3A_8 = tpu.memref_slice %arg2[%mul3A_2, %dma_start3A_7] : memref<64x100000xf32, #tpu.memory_space<hbm>> -> memref<1x49920xf32, #tpu.memory_space<hbm>>
    %dma_start3A_9 = tpu.memref_squeeze %dma_start3A_8 : memref<1x49920xf32, #tpu.memory_space<hbm>> -> memref<49920xf32, #tpu.memory_space<hbm>>
    tpu.enqueue_dma source(%dma_start3A_9 : memref<49920xf32, #tpu.memory_space<hbm>>) target(%arg6 : memref<49920xf32, #tpu.memory_space<vmem>>) target_semaphore(%arg11 : memref<!tpu.dma_semaphore, #tpu.memory_space<semaphore_mem>>)
    %dma_start3A_10 = arith.constant 49920 : i32
    %dma_start3A_11 = tpu.memref_slice %arg2[%mul3A_2, %dma_start3A_10] : memref<64x100000xf32, #tpu.memory_space<hbm>> -> memref<1x50080xf32, #tpu.memory_space<hbm>>
    %dma_start3A_12 = tpu.memref_squeeze %dma_start3A_11 : memref<1x50080xf32, #tpu.memory_space<hbm>> -> memref<50080xf32, #tpu.memory_space<hbm>>
    %dma_start3A_13 = arith.constant 49920 : i32
    %dma_start3A_14 = tpu.memref_slice %arg2[%mul3A_2, %dma_start3A_13] : memref<64x100000xf32, #tpu.memory_space<hbm>> -> memref<1x50080xf32, #tpu.memory_space<hbm>>
    %dma_start3A_15 = tpu.memref_squeeze %dma_start3A_14 : memref<1x50080xf32, #tpu.memory_space<hbm>> -> memref<50080xf32, #tpu.memory_space<hbm>>
    tpu.enqueue_dma source(%dma_start3A_15 : memref<50080xf32, #tpu.memory_space<hbm>>) target(%arg7 : memref<50080xf32, #tpu.memory_space<vmem>>) target_semaphore(%arg12 : memref<!tpu.dma_semaphore, #tpu.memory_space<semaphore_mem>>)
    tpu.wait_dma2 semaphore(%arg10 : memref<!tpu.dma_semaphore, #tpu.memory_space<semaphore_mem>>) src(%arg3 : memref<4096xi32, #tpu.memory_space<hbm>>) dst(%arg5 : memref<4096xi32, #tpu.memory_space<vmem>>)
    %dma_wait3A = arith.constant 0 : i32
    %dma_wait3A_16 = tpu.memref_slice %arg2[%mul3A_2, %dma_wait3A] : memref<64x100000xf32, #tpu.memory_space<hbm>> -> memref<1x49920xf32, #tpu.memory_space<hbm>>
    %dma_wait3A_17 = tpu.memref_squeeze %dma_wait3A_16 : memref<1x49920xf32, #tpu.memory_space<hbm>> -> memref<49920xf32, #tpu.memory_space<hbm>>
    %dma_wait3A_18 = arith.constant 0 : i32
    %dma_wait3A_19 = tpu.memref_slice %arg2[%mul3A_2, %dma_wait3A_18] : memref<64x100000xf32, #tpu.memory_space<hbm>> -> memref<1x49920xf32, #tpu.memory_space<hbm>>
    %dma_wait3A_20 = tpu.memref_squeeze %dma_wait3A_19 : memref<1x49920xf32, #tpu.memory_space<hbm>> -> memref<49920xf32, #tpu.memory_space<hbm>>
    tpu.wait_dma2 semaphore(%arg11 : memref<!tpu.dma_semaphore, #tpu.memory_space<semaphore_mem>>) src(%dma_wait3A_20 : memref<49920xf32, #tpu.memory_space<hbm>>) dst(%arg6 : memref<49920xf32, #tpu.memory_space<vmem>>)
    %scan3A = arith.constant 0 : i32
    %scan3A_21 = arith.constant 256 : i32
    %scan3A_22 = arith.addi %scan3A, %scan3A_21 : i32
    %scan3A_23 = arith.constant 4 : i32
    scf.for %scan3A_82 = %scan3A to %scan3A_22 step %scan3A_23  : i32 {
      %mul3A_83 = arith.constant 16 : i32
      %mul3A_84 = arith.muli %scan3A_82, %mul3A_83 : i32
      %get3A = arith.index_cast %mul3A_84 : i32 to index
      %get3A_85 = tpu.vector_load %arg5[%get3A] {strides = array<i32>} : memref<4096xi32, #tpu.memory_space<vmem>>, vector<16xi32>,
      %min3A = arith.constant 49919 : i32
      %min3A_86 = vector.broadcast %min3A : i32 to vector<16xi32>
      %min3A_87 = arith.minsi %get3A_85, %min3A_86 : vector<16xi32>
      %gather3A = tpu.vector_load_idx %arg6[%min3A_87] : memref<49920xf32, #tpu.memory_space<vmem>>[vector<16xi32>], vector<16xf32>,
      %mul3A_88 = arith.constant 16 : i32
      %mul3A_89 = arith.muli %scan3A_82, %mul3A_88 : i32
      %swap3A = arith.index_cast %mul3A_89 : i32 to index
      %swap3A_90 = tpu.vector_load %arg8[%swap3A] {strides = array<i32>} : memref<4096xf32, #tpu.memory_space<vmem>>, vector<16xf32>,
      tpu.vector_store %arg8[%swap3A], %gather3A {strides = array<i32>} : memref<4096xf32, #tpu.memory_space<vmem>>, vector<16xf32>,
      %scan3A_91 = arith.constant 1 : i32
      %scan3A_92 = arith.addi %scan3A_82, %scan3A_91 : i32
      %mul3A_93 = arith.constant 16 : i32
      %mul3A_94 = arith.muli %scan3A_92, %mul3A_93 : i32
      %get3A_95 = arith.index_cast %mul3A_94 : i32 to index
      %get3A_96 = tpu.vector_load %arg5[%get3A_95] {strides = array<i32>} : memref<4096xi32, #tpu.memory_space<vmem>>, vector<16xi32>,
      %min3A_97 = arith.constant 49919 : i32
      %min3A_98 = vector.broadcast %min3A_97 : i32 to vector<16xi32>
      %min3A_99 = arith.minsi %get3A_96, %min3A_98 : vector<16xi32>
      %gather3A_100 = tpu.vector_load_idx %arg6[%min3A_99] : memref<49920xf32, #tpu.memory_space<vmem>>[vector<16xi32>], vector<16xf32>,
      %mul3A_101 = arith.constant 16 : i32
      %mul3A_102 = arith.muli %scan3A_92, %mul3A_101 : i32
      %swap3A_103 = arith.index_cast %mul3A_102 : i32 to index
      %swap3A_104 = tpu.vector_load %arg8[%swap3A_103] {strides = array<i32>} : memref<4096xf32, #tpu.memory_space<vmem>>, vector<16xf32>,
      tpu.vector_store %arg8[%swap3A_103], %gather3A_100 {strides = array<i32>} : memref<4096xf32, #tpu.memory_space<vmem>>, vector<16xf32>,
      %scan3A_105 = arith.constant 2 : i32
      %scan3A_106 = arith.addi %scan3A_82, %scan3A_105 : i32
      %mul3A_107 = arith.constant 16 : i32
      %mul3A_108 = arith.muli %scan3A_106, %mul3A_107 : i32
      %get3A_109 = arith.index_cast %mul3A_108 : i32 to index
      %get3A_110 = tpu.vector_load %arg5[%get3A_109] {strides = array<i32>} : memref<4096xi32, #tpu.memory_space<vmem>>, vector<16xi32>,
      %min3A_111 = arith.constant 49919 : i32
      %min3A_112 = vector.broadcast %min3A_111 : i32 to vector<16xi32>
      %min3A_113 = arith.minsi %get3A_110, %min3A_112 : vector<16xi32>
      %gather3A_114 = tpu.vector_load_idx %arg6[%min3A_113] : memref<49920xf32, #tpu.memory_space<vmem>>[vector<16xi32>], vector<16xf32>,
      %mul3A_115 = arith.constant 16 : i32
      %mul3A_116 = arith.muli %scan3A_106, %mul3A_115 : i32
      %swap3A_117 = arith.index_cast %mul3A_116 : i32 to index
      %swap3A_118 = tpu.vector_load %arg8[%swap3A_117] {strides = array<i32>} : memref<4096xf32, #tpu.memory_space<vmem>>, vector<16xf32>,
      tpu.vector_store %arg8[%swap3A_117], %gather3A_114 {strides = array<i32>} : memref<4096xf32, #tpu.memory_space<vmem>>, vector<16xf32>,
      %scan3A_119 = arith.constant 3 : i32
      %scan3A_120 = arith.addi %scan3A_82, %scan3A_119 : i32
      %mul3A_121 = arith.constant 16 : i32
      %mul3A_122 = arith.muli %scan3A_120, %mul3A_121 : i32
      %get3A_123 = arith.index_cast %mul3A_122 : i32 to index
      %get3A_124 = tpu.vector_load %arg5[%get3A_123] {strides = array<i32>} : memref<4096xi32, #tpu.memory_space<vmem>>, vector<16xi32>,
      %min3A_125 = arith.constant 49919 : i32
      %min3A_126 = vector.broadcast %min3A_125 : i32 to vector<16xi32>
      %min3A_127 = arith.minsi %get3A_124, %min3A_126 : vector<16xi32>
      %gather3A_128 = tpu.vector_load_idx %arg6[%min3A_127] : memref<49920xf32, #tpu.memory_space<vmem>>[vector<16xi32>], vector<16xf32>,
      %mul3A_129 = arith.constant 16 : i32
      %mul3A_130 = arith.muli %scan3A_120, %mul3A_129 : i32
      %swap3A_131 = arith.index_cast %mul3A_130 : i32 to index
      %swap3A_132 = tpu.vector_load %arg8[%swap3A_131] {strides = array<i32>} : memref<4096xf32, #tpu.memory_space<vmem>>, vector<16xf32>,
      tpu.vector_store %arg8[%swap3A_131], %gather3A_128 {strides = array<i32>} : memref<4096xf32, #tpu.memory_space<vmem>>, vector<16xf32>,
    }
    %scan3A_24 = arith.constant 256 : i32
    %dma_start3A_25 = arith.constant 0 : i32
    %dma_start3A_26 = tpu.memref_slice %arg2[%add3A_4, %dma_start3A_25] : memref<64x100000xf32, #tpu.memory_space<hbm>> -> memref<1x49920xf32, #tpu.memory_space<hbm>>
    %dma_start3A_27 = tpu.memref_squeeze %dma_start3A_26 : memref<1x49920xf32, #tpu.memory_space<hbm>> -> memref<49920xf32, #tpu.memory_space<hbm>>
    %dma_start3A_28 = arith.constant 0 : i32
    %dma_start3A_29 = tpu.memref_slice %arg2[%add3A_4, %dma_start3A_28] : memref<64x100000xf32, #tpu.memory_space<hbm>> -> memref<1x49920xf32, #tpu.memory_space<hbm>>
    %dma_start3A_30 = tpu.memref_squeeze %dma_start3A_29 : memref<1x49920xf32, #tpu.memory_space<hbm>> -> memref<49920xf32, #tpu.memory_space<hbm>>
    tpu.enqueue_dma source(%dma_start3A_30 : memref<49920xf32, #tpu.memory_space<hbm>>) target(%arg6 : memref<49920xf32, #tpu.memory_space<vmem>>) target_semaphore(%arg11 : memref<!tpu.dma_semaphore, #tpu.memory_space<semaphore_mem>>)
    %dma_wait3A_31 = arith.constant 49920 : i32
    %dma_wait3A_32 = tpu.memref_slice %arg2[%mul3A_2, %dma_wait3A_31] : memref<64x100000xf32, #tpu.memory_space<hbm>> -> memref<1x50080xf32, #tpu.memory_space<hbm>>
    %dma_wait3A_33 = tpu.memref_squeeze %dma_wait3A_32 : memref<1x50080xf32, #tpu.memory_space<hbm>> -> memref<50080xf32, #tpu.memory_space<hbm>>
    %dma_wait3A_34 = arith.constant 49920 : i32
    %dma_wait3A_35 = tpu.memref_slice %arg2[%mul3A_2, %dma_wait3A_34] : memref<64x100000xf32, #tpu.memory_space<hbm>> -> memref<1x50080xf32, #tpu.memory_space<hbm>>
    %dma_wait3A_36 = tpu.memref_squeeze %dma_wait3A_35 : memref<1x50080xf32, #tpu.memory_space<hbm>> -> memref<50080xf32, #tpu.memory_space<hbm>>
    tpu.wait_dma2 semaphore(%arg12 : memref<!tpu.dma_semaphore, #tpu.memory_space<semaphore_mem>>) src(%dma_wait3A_36 : memref<50080xf32, #tpu.memory_space<hbm>>) dst(%arg7 : memref<50080xf32, #tpu.memory_space<vmem>>)
    %scan3A_37 = arith.constant 0 : i32
    %scan3A_38 = arith.constant 256 : i32
    %scan3A_39 = arith.addi %scan3A_37, %scan3A_38 : i32
    %scan3A_40 = arith.constant 4 : i32
    scf.for %scan3A_82 = %scan3A_37 to %scan3A_39 step %scan3A_40  : i32 {
      %mul3A_83 = arith.constant 16 : i32
      %mul3A_84 = arith.muli %scan3A_82, %mul3A_83 : i32
      %get3A = arith.index_cast %mul3A_84 : i32 to index
      %get3A_85 = tpu.vector_load %arg5[%get3A] {strides = array<i32>} : memref<4096xi32, #tpu.memory_space<vmem>>, vector<16xi32>,
      %sub3A = arith.constant 49920 : i32
      %sub3A_86 = vector.broadcast %sub3A : i32 to vector<16xi32>
      %sub3A_87 = arith.subi %get3A_85, %sub3A_86 : vector<16xi32>
      %max3A = arith.constant 0 : i32
      %max3A_88 = vector.broadcast %max3A : i32 to vector<16xi32>
      %max3A_89 = arith.maxsi %sub3A_87, %max3A_88 : vector<16xi32>
      %gather3A = tpu.vector_load_idx %arg7[%max3A_89] : memref<50080xf32, #tpu.memory_space<vmem>>[vector<16xi32>], vector<16xf32>,
      %mul3A_90 = arith.constant 16 : i32
      %mul3A_91 = arith.muli %scan3A_82, %mul3A_90 : i32
      %get3A_92 = arith.index_cast %mul3A_91 : i32 to index
      %get3A_93 = tpu.vector_load %arg8[%get3A_92] {strides = array<i32>} : memref<4096xf32, #tpu.memory_space<vmem>>, vector<16xf32>,
      %ge3A = arith.constant 49920 : i32
      %ge3A_94 = vector.broadcast %ge3A : i32 to vector<16xi32>
      %ge3A_95 = arith.cmpi sge, %get3A_85, %ge3A_94 : vector<16xi32>
      %select_n3A = arith.select %ge3A_95, %gather3A, %get3A_93 : vector<16xi1>, vector<16xf32>
      %mul3A_96 = arith.constant 16 : i32
      %mul3A_97 = arith.muli %scan3A_82, %mul3A_96 : i32
      %swap3A = arith.index_cast %mul3A_97 : i32 to index
      %swap3A_98 = tpu.vector_load %arg8[%swap3A] {strides = array<i32>} : memref<4096xf32, #tpu.memory_space<vmem>>, vector<16xf32>,
      tpu.vector_store %arg8[%swap3A], %select_n3A {strides = array<i32>} : memref<4096xf32, #tpu.memory_space<vmem>>, vector<16xf32>,
      %scan3A_99 = arith.constant 1 : i32
      %scan3A_100 = arith.addi %scan3A_82, %scan3A_99 : i32
      %mul3A_101 = arith.constant 16 : i32
      %mul3A_102 = arith.muli %scan3A_100, %mul3A_101 : i32
      %get3A_103 = arith.index_cast %mul3A_102 : i32 to index
      %get3A_104 = tpu.vector_load %arg5[%get3A_103] {strides = array<i32>} : memref<4096xi32, #tpu.memory_space<vmem>>, vector<16xi32>,
      %sub3A_105 = arith.constant 49920 : i32
      %sub3A_106 = vector.broadcast %sub3A_105 : i32 to vector<16xi32>
      %sub3A_107 = arith.subi %get3A_104, %sub3A_106 : vector<16xi32>
      %max3A_108 = arith.constant 0 : i32
      %max3A_109 = vector.broadcast %max3A_108 : i32 to vector<16xi32>
      %max3A_110 = arith.maxsi %sub3A_107, %max3A_109 : vector<16xi32>
      %gather3A_111 = tpu.vector_load_idx %arg7[%max3A_110] : memref<50080xf32, #tpu.memory_space<vmem>>[vector<16xi32>], vector<16xf32>,
      %mul3A_112 = arith.constant 16 : i32
      %mul3A_113 = arith.muli %scan3A_100, %mul3A_112 : i32
      %get3A_114 = arith.index_cast %mul3A_113 : i32 to index
      %get3A_115 = tpu.vector_load %arg8[%get3A_114] {strides = array<i32>} : memref<4096xf32, #tpu.memory_space<vmem>>, vector<16xf32>,
      %ge3A_116 = arith.constant 49920 : i32
      %ge3A_117 = vector.broadcast %ge3A_116 : i32 to vector<16xi32>
      %ge3A_118 = arith.cmpi sge, %get3A_104, %ge3A_117 : vector<16xi32>
      %select_n3A_119 = arith.select %ge3A_118, %gather3A_111, %get3A_115 : vector<16xi1>, vector<16xf32>
      %mul3A_120 = arith.constant 16 : i32
      %mul3A_121 = arith.muli %scan3A_100, %mul3A_120 : i32
      %swap3A_122 = arith.index_cast %mul3A_121 : i32 to index
      %swap3A_123 = tpu.vector_load %arg8[%swap3A_122] {strides = array<i32>} : memref<4096xf32, #tpu.memory_space<vmem>>, vector<16xf32>,
      tpu.vector_store %arg8[%swap3A_122], %select_n3A_119 {strides = array<i32>} : memref<4096xf32, #tpu.memory_space<vmem>>, vector<16xf32>,
      %scan3A_124 = arith.constant 2 : i32
      %scan3A_125 = arith.addi %scan3A_82, %scan3A_124 : i32
      %mul3A_126 = arith.constant 16 : i32
      %mul3A_127 = arith.muli %scan3A_125, %mul3A_126 : i32
      %get3A_128 = arith.index_cast %mul3A_127 : i32 to index
      %get3A_129 = tpu.vector_load %arg5[%get3A_128] {strides = array<i32>} : memref<4096xi32, #tpu.memory_space<vmem>>, vector<16xi32>,
      %sub3A_130 = arith.constant 49920 : i32
      %sub3A_131 = vector.broadcast %sub3A_130 : i32 to vector<16xi32>
      %sub3A_132 = arith.subi %get3A_129, %sub3A_131 : vector<16xi32>
      %max3A_133 = arith.constant 0 : i32
      %max3A_134 = vector.broadcast %max3A_133 : i32 to vector<16xi32>
      %max3A_135 = arith.maxsi %sub3A_132, %max3A_134 : vector<16xi32>
      %gather3A_136 = tpu.vector_load_idx %arg7[%max3A_135] : memref<50080xf32, #tpu.memory_space<vmem>>[vector<16xi32>], vector<16xf32>,
      %mul3A_137 = arith.constant 16 : i32
      %mul3A_138 = arith.muli %scan3A_125, %mul3A_137 : i32
      %get3A_139 = arith.index_cast %mul3A_138 : i32 to index
      %get3A_140 = tpu.vector_load %arg8[%get3A_139] {strides = array<i32>} : memref<4096xf32, #tpu.memory_space<vmem>>, vector<16xf32>,
      %ge3A_141 = arith.constant 49920 : i32
      %ge3A_142 = vector.broadcast %ge3A_141 : i32 to vector<16xi32>
      %ge3A_143 = arith.cmpi sge, %get3A_129, %ge3A_142 : vector<16xi32>
      %select_n3A_144 = arith.select %ge3A_143, %gather3A_136, %get3A_140 : vector<16xi1>, vector<16xf32>
      %mul3A_145 = arith.constant 16 : i32
      %mul3A_146 = arith.muli %scan3A_125, %mul3A_145 : i32
      %swap3A_147 = arith.index_cast %mul3A_146 : i32 to index
      %swap3A_148 = tpu.vector_load %arg8[%swap3A_147] {strides = array<i32>} : memref<4096xf32, #tpu.memory_space<vmem>>, vector<16xf32>,
      tpu.vector_store %arg8[%swap3A_147], %select_n3A_144 {strides = array<i32>} : memref<4096xf32, #tpu.memory_space<vmem>>, vector<16xf32>,
      %scan3A_149 = arith.constant 3 : i32
      %scan3A_150 = arith.addi %scan3A_82, %scan3A_149 : i32
      %mul3A_151 = arith.constant 16 : i32
      %mul3A_152 = arith.muli %scan3A_150, %mul3A_151 : i32
      %get3A_153 = arith.index_cast %mul3A_152 : i32 to index
      %get3A_154 = tpu.vector_load %arg5[%get3A_153] {strides = array<i32>} : memref<4096xi32, #tpu.memory_space<vmem>>, vector<16xi32>,
      %sub3A_155 = arith.constant 49920 : i32
      %sub3A_156 = vector.broadcast %sub3A_155 : i32 to vector<16xi32>
      %sub3A_157 = arith.subi %get3A_154, %sub3A_156 : vector<16xi32>
      %max3A_158 = arith.constant 0 : i32
      %max3A_159 = vector.broadcast %max3A_158 : i32 to vector<16xi32>
      %max3A_160 = arith.maxsi %sub3A_157, %max3A_159 : vector<16xi32>
      %gather3A_161 = tpu.vector_load_idx %arg7[%max3A_160] : memref<50080xf32, #tpu.memory_space<vmem>>[vector<16xi32>], vector<16xf32>,
      %mul3A_162 = arith.constant 16 : i32
      %mul3A_163 = arith.muli %scan3A_150, %mul3A_162 : i32
      %get3A_164 = arith.index_cast %mul3A_163 : i32 to index
      %get3A_165 = tpu.vector_load %arg8[%get3A_164] {strides = array<i32>} : memref<4096xf32, #tpu.memory_space<vmem>>, vector<16xf32>,
      %ge3A_166 = arith.constant 49920 : i32
      %ge3A_167 = vector.broadcast %ge3A_166 : i32 to vector<16xi32>
      %ge3A_168 = arith.cmpi sge, %get3A_154, %ge3A_167 : vector<16xi32>
      %select_n3A_169 = arith.select %ge3A_168, %gather3A_161, %get3A_165 : vector<16xi1>, vector<16xf32>
      %mul3A_170 = arith.constant 16 : i32
      %mul3A_171 = arith.muli %scan3A_150, %mul3A_170 : i32
      %swap3A_172 = arith.index_cast %mul3A_171 : i32 to index
      %swap3A_173 = tpu.vector_load %arg8[%swap3A_172] {strides = array<i32>} : memref<4096xf32, #tpu.memory_space<vmem>>, vector<16xf32>,
      tpu.vector_store %arg8[%swap3A_172], %select_n3A_169 {strides = array<i32>} : memref<4096xf32, #tpu.memory_space<vmem>>, vector<16xf32>,
    }
    %scan3A_41 = arith.constant 256 : i32
    %dma_start3A_42 = arith.constant 49920 : i32
    %dma_start3A_43 = tpu.memref_slice %arg2[%add3A_4, %dma_start3A_42] : memref<64x100000xf32, #tpu.memory_space<hbm>> -> memref<1x50080xf32, #tpu.memory_space<hbm>>
    %dma_start3A_44 = tpu.memref_squeeze %dma_start3A_43 : memref<1x50080xf32, #tpu.memory_space<hbm>> -> memref<50080xf32, #tpu.memory_space<hbm>>
    %dma_start3A_45 = arith.constant 49920 : i32
    %dma_start3A_46 = tpu.memref_slice %arg2[%add3A_4, %dma_start3A_45] : memref<64x100000xf32, #tpu.memory_space<hbm>> -> memref<1x50080xf32, #tpu.memory_space<hbm>>
    %dma_start3A_47 = tpu.memref_squeeze %dma_start3A_46 : memref<1x50080xf32, #tpu.memory_space<hbm>> -> memref<50080xf32, #tpu.memory_space<hbm>>
    tpu.enqueue_dma source(%dma_start3A_47 : memref<50080xf32, #tpu.memory_space<hbm>>) target(%arg7 : memref<50080xf32, #tpu.memory_space<vmem>>) target_semaphore(%arg12 : memref<!tpu.dma_semaphore, #tpu.memory_space<semaphore_mem>>)
    %dma_start3A_48 = arith.constant 0 : i32
    %dma_start3A_49 = tpu.memref_slice %arg4[%mul3A_2, %dma_start3A_48] : memref<64x4096xf32, #tpu.memory_space<hbm>> -> memref<1x4096xf32, #tpu.memory_space<hbm>>
    %dma_start3A_50 = tpu.memref_squeeze %dma_start3A_49 : memref<1x4096xf32, #tpu.memory_space<hbm>> -> memref<4096xf32, #tpu.memory_space<hbm>>
    %dma_start3A_51 = arith.constant 0 : i32
    %dma_start3A_52 = tpu.memref_slice %arg4[%mul3A_2, %dma_start3A_51] : memref<64x4096xf32, #tpu.memory_space<hbm>> -> memref<1x4096xf32, #tpu.memory_space<hbm>>
    %dma_start3A_53 = tpu.memref_squeeze %dma_start3A_52 : memref<1x4096xf32, #tpu.memory_space<hbm>> -> memref<4096xf32, #tpu.memory_space<hbm>>
    tpu.enqueue_dma source(%arg8 : memref<4096xf32, #tpu.memory_space<vmem>>) target(%dma_start3A_53 : memref<4096xf32, #tpu.memory_space<hbm>>) target_semaphore(%arg13 : memref<!tpu.dma_semaphore, #tpu.memory_space<semaphore_mem>>)
    %dma_wait3A_54 = arith.constant 0 : i32
    %dma_wait3A_55 = tpu.memref_slice %arg2[%add3A_4, %dma_wait3A_54] : memref<64x100000xf32, #tpu.memory_space<hbm>> -> memref<1x49920xf32, #tpu.memory_space<hbm>>
    %dma_wait3A_56 = tpu.memref_squeeze %dma_wait3A_55 : memref<1x49920xf32, #tpu.memory_space<hbm>> -> memref<49920xf32, #tpu.memory_space<hbm>>
    %dma_wait3A_57 = arith.constant 0 : i32
    %dma_wait3A_58 = tpu.memref_slice %arg2[%add3A_4, %dma_wait3A_57] : memref<64x100000xf32, #tpu.memory_space<hbm>> -> memref<1x49920xf32, #tpu.memory_space<hbm>>
    %dma_wait3A_59 = tpu.memref_squeeze %dma_wait3A_58 : memref<1x49920xf32, #tpu.memory_space<hbm>> -> memref<49920xf32, #tpu.memory_space<hbm>>
    tpu.wait_dma2 semaphore(%arg11 : memref<!tpu.dma_semaphore, #tpu.memory_space<semaphore_mem>>) src(%dma_wait3A_59 : memref<49920xf32, #tpu.memory_space<hbm>>) dst(%arg6 : memref<49920xf32, #tpu.memory_space<vmem>>)
    %scan3A_60 = arith.constant 0 : i32
    %scan3A_61 = arith.constant 256 : i32
    %scan3A_62 = arith.addi %scan3A_60, %scan3A_61 : i32
    %scan3A_63 = arith.constant 4 : i32
    scf.for %scan3A_82 = %scan3A_60 to %scan3A_62 step %scan3A_63  : i32 {
      %mul3A_83 = arith.constant 16 : i32
      %mul3A_84 = arith.muli %scan3A_82, %mul3A_83 : i32
      %get3A = arith.index_cast %mul3A_84 : i32 to index
      %get3A_85 = tpu.vector_load %arg5[%get3A] {strides = array<i32>} : memref<4096xi32, #tpu.memory_space<vmem>>, vector<16xi32>,
      %min3A = arith.constant 49919 : i32
      %min3A_86 = vector.broadcast %min3A : i32 to vector<16xi32>
      %min3A_87 = arith.minsi %get3A_85, %min3A_86 : vector<16xi32>
      %gather3A = tpu.vector_load_idx %arg6[%min3A_87] : memref<49920xf32, #tpu.memory_space<vmem>>[vector<16xi32>], vector<16xf32>,
      %mul3A_88 = arith.constant 16 : i32
      %mul3A_89 = arith.muli %scan3A_82, %mul3A_88 : i32
      %swap3A = arith.index_cast %mul3A_89 : i32 to index
      %swap3A_90 = tpu.vector_load %arg9[%swap3A] {strides = array<i32>} : memref<4096xf32, #tpu.memory_space<vmem>>, vector<16xf32>,
      tpu.vector_store %arg9[%swap3A], %gather3A {strides = array<i32>} : memref<4096xf32, #tpu.memory_space<vmem>>, vector<16xf32>,
      %scan3A_91 = arith.constant 1 : i32
      %scan3A_92 = arith.addi %scan3A_82, %scan3A_91 : i32
      %mul3A_93 = arith.constant 16 : i32
      %mul3A_94 = arith.muli %scan3A_92, %mul3A_93 : i32
      %get3A_95 = arith.index_cast %mul3A_94 : i32 to index
      %get3A_96 = tpu.vector_load %arg5[%get3A_95] {strides = array<i32>} : memref<4096xi32, #tpu.memory_space<vmem>>, vector<16xi32>,
      %min3A_97 = arith.constant 49919 : i32
      %min3A_98 = vector.broadcast %min3A_97 : i32 to vector<16xi32>
      %min3A_99 = arith.minsi %get3A_96, %min3A_98 : vector<16xi32>
      %gather3A_100 = tpu.vector_load_idx %arg6[%min3A_99] : memref<49920xf32, #tpu.memory_space<vmem>>[vector<16xi32>], vector<16xf32>,
      %mul3A_101 = arith.constant 16 : i32
      %mul3A_102 = arith.muli %scan3A_92, %mul3A_101 : i32
      %swap3A_103 = arith.index_cast %mul3A_102 : i32 to index
      %swap3A_104 = tpu.vector_load %arg9[%swap3A_103] {strides = array<i32>} : memref<4096xf32, #tpu.memory_space<vmem>>, vector<16xf32>,
      tpu.vector_store %arg9[%swap3A_103], %gather3A_100 {strides = array<i32>} : memref<4096xf32, #tpu.memory_space<vmem>>, vector<16xf32>,
      %scan3A_105 = arith.constant 2 : i32
      %scan3A_106 = arith.addi %scan3A_82, %scan3A_105 : i32
      %mul3A_107 = arith.constant 16 : i32
      %mul3A_108 = arith.muli %scan3A_106, %mul3A_107 : i32
      %get3A_109 = arith.index_cast %mul3A_108 : i32 to index
      %get3A_110 = tpu.vector_load %arg5[%get3A_109] {strides = array<i32>} : memref<4096xi32, #tpu.memory_space<vmem>>, vector<16xi32>,
      %min3A_111 = arith.constant 49919 : i32
      %min3A_112 = vector.broadcast %min3A_111 : i32 to vector<16xi32>
      %min3A_113 = arith.minsi %get3A_110, %min3A_112 : vector<16xi32>
      %gather3A_114 = tpu.vector_load_idx %arg6[%min3A_113] : memref<49920xf32, #tpu.memory_space<vmem>>[vector<16xi32>], vector<16xf32>,
      %mul3A_115 = arith.constant 16 : i32
      %mul3A_116 = arith.muli %scan3A_106, %mul3A_115 : i32
      %swap3A_117 = arith.index_cast %mul3A_116 : i32 to index
      %swap3A_118 = tpu.vector_load %arg9[%swap3A_117] {strides = array<i32>} : memref<4096xf32, #tpu.memory_space<vmem>>, vector<16xf32>,
      tpu.vector_store %arg9[%swap3A_117], %gather3A_114 {strides = array<i32>} : memref<4096xf32, #tpu.memory_space<vmem>>, vector<16xf32>,
      %scan3A_119 = arith.constant 3 : i32
      %scan3A_120 = arith.addi %scan3A_82, %scan3A_119 : i32
      %mul3A_121 = arith.constant 16 : i32
      %mul3A_122 = arith.muli %scan3A_120, %mul3A_121 : i32
      %get3A_123 = arith.index_cast %mul3A_122 : i32 to index
      %get3A_124 = tpu.vector_load %arg5[%get3A_123] {strides = array<i32>} : memref<4096xi32, #tpu.memory_space<vmem>>, vector<16xi32>,
      %min3A_125 = arith.constant 49919 : i32
      %min3A_126 = vector.broadcast %min3A_125 : i32 to vector<16xi32>
      %min3A_127 = arith.minsi %get3A_124, %min3A_126 : vector<16xi32>
      %gather3A_128 = tpu.vector_load_idx %arg6[%min3A_127] : memref<49920xf32, #tpu.memory_space<vmem>>[vector<16xi32>], vector<16xf32>,
      %mul3A_129 = arith.constant 16 : i32
      %mul3A_130 = arith.muli %scan3A_120, %mul3A_129 : i32
      %swap3A_131 = arith.index_cast %mul3A_130 : i32 to index
      %swap3A_132 = tpu.vector_load %arg9[%swap3A_131] {strides = array<i32>} : memref<4096xf32, #tpu.memory_space<vmem>>, vector<16xf32>,
      tpu.vector_store %arg9[%swap3A_131], %gather3A_128 {strides = array<i32>} : memref<4096xf32, #tpu.memory_space<vmem>>, vector<16xf32>,
    }
    %scan3A_64 = arith.constant 256 : i32
    %dma_wait3A_65 = arith.constant 49920 : i32
    %dma_wait3A_66 = tpu.memref_slice %arg2[%add3A_4, %dma_wait3A_65] : memref<64x100000xf32, #tpu.memory_space<hbm>> -> memref<1x50080xf32, #tpu.memory_space<hbm>>
    %dma_wait3A_67 = tpu.memref_squeeze %dma_wait3A_66 : memref<1x50080xf32, #tpu.memory_space<hbm>> -> memref<50080xf32, #tpu.memory_space<hbm>>
    %dma_wait3A_68 = arith.constant 49920 : i32
    %dma_wait3A_69 = tpu.memref_slice %arg2[%add3A_4, %dma_wait3A_68] : memref<64x100000xf32, #tpu.memory_space<hbm>> -> memref<1x50080xf32, #tpu.memory_space<hbm>>
    %dma_wait3A_70 = tpu.memref_squeeze %dma_wait3A_69 : memref<1x50080xf32, #tpu.memory_space<hbm>> -> memref<50080xf32, #tpu.memory_space<hbm>>
    tpu.wait_dma2 semaphore(%arg12 : memref<!tpu.dma_semaphore, #tpu.memory_space<semaphore_mem>>) src(%dma_wait3A_70 : memref<50080xf32, #tpu.memory_space<hbm>>) dst(%arg7 : memref<50080xf32, #tpu.memory_space<vmem>>)
    %scan3A_71 = arith.constant 0 : i32
    %scan3A_72 = arith.constant 256 : i32
    %scan3A_73 = arith.addi %scan3A_71, %scan3A_72 : i32
    %scan3A_74 = arith.constant 4 : i32
    scf.for %scan3A_82 = %scan3A_71 to %scan3A_73 step %scan3A_74  : i32 {
      %mul3A_83 = arith.constant 16 : i32
      %mul3A_84 = arith.muli %scan3A_82, %mul3A_83 : i32
      %get3A = arith.index_cast %mul3A_84 : i32 to index
      %get3A_85 = tpu.vector_load %arg5[%get3A] {strides = array<i32>} : memref<4096xi32, #tpu.memory_space<vmem>>, vector<16xi32>,
      %sub3A = arith.constant 49920 : i32
      %sub3A_86 = vector.broadcast %sub3A : i32 to vector<16xi32>
      %sub3A_87 = arith.subi %get3A_85, %sub3A_86 : vector<16xi32>
      %max3A = arith.constant 0 : i32
      %max3A_88 = vector.broadcast %max3A : i32 to vector<16xi32>
      %max3A_89 = arith.maxsi %sub3A_87, %max3A_88 : vector<16xi32>
      %gather3A = tpu.vector_load_idx %arg7[%max3A_89] : memref<50080xf32, #tpu.memory_space<vmem>>[vector<16xi32>], vector<16xf32>,
      %mul3A_90 = arith.constant 16 : i32
      %mul3A_91 = arith.muli %scan3A_82, %mul3A_90 : i32
      %get3A_92 = arith.index_cast %mul3A_91 : i32 to index
      %get3A_93 = tpu.vector_load %arg9[%get3A_92] {strides = array<i32>} : memref<4096xf32, #tpu.memory_space<vmem>>, vector<16xf32>,
      %ge3A = arith.constant 49920 : i32
      %ge3A_94 = vector.broadcast %ge3A : i32 to vector<16xi32>
      %ge3A_95 = arith.cmpi sge, %get3A_85, %ge3A_94 : vector<16xi32>
      %select_n3A = arith.select %ge3A_95, %gather3A, %get3A_93 : vector<16xi1>, vector<16xf32>
      %mul3A_96 = arith.constant 16 : i32
      %mul3A_97 = arith.muli %scan3A_82, %mul3A_96 : i32
      %swap3A = arith.index_cast %mul3A_97 : i32 to index
      %swap3A_98 = tpu.vector_load %arg9[%swap3A] {strides = array<i32>} : memref<4096xf32, #tpu.memory_space<vmem>>, vector<16xf32>,
      tpu.vector_store %arg9[%swap3A], %select_n3A {strides = array<i32>} : memref<4096xf32, #tpu.memory_space<vmem>>, vector<16xf32>,
      %scan3A_99 = arith.constant 1 : i32
      %scan3A_100 = arith.addi %scan3A_82, %scan3A_99 : i32
      %mul3A_101 = arith.constant 16 : i32
      %mul3A_102 = arith.muli %scan3A_100, %mul3A_101 : i32
      %get3A_103 = arith.index_cast %mul3A_102 : i32 to index
      %get3A_104 = tpu.vector_load %arg5[%get3A_103] {strides = array<i32>} : memref<4096xi32, #tpu.memory_space<vmem>>, vector<16xi32>,
      %sub3A_105 = arith.constant 49920 : i32
      %sub3A_106 = vector.broadcast %sub3A_105 : i32 to vector<16xi32>
      %sub3A_107 = arith.subi %get3A_104, %sub3A_106 : vector<16xi32>
      %max3A_108 = arith.constant 0 : i32
      %max3A_109 = vector.broadcast %max3A_108 : i32 to vector<16xi32>
      %max3A_110 = arith.maxsi %sub3A_107, %max3A_109 : vector<16xi32>
      %gather3A_111 = tpu.vector_load_idx %arg7[%max3A_110] : memref<50080xf32, #tpu.memory_space<vmem>>[vector<16xi32>], vector<16xf32>,
      %mul3A_112 = arith.constant 16 : i32
      %mul3A_113 = arith.muli %scan3A_100, %mul3A_112 : i32
      %get3A_114 = arith.index_cast %mul3A_113 : i32 to index
      %get3A_115 = tpu.vector_load %arg9[%get3A_114] {strides = array<i32>} : memref<4096xf32, #tpu.memory_space<vmem>>, vector<16xf32>,
      %ge3A_116 = arith.constant 49920 : i32
      %ge3A_117 = vector.broadcast %ge3A_116 : i32 to vector<16xi32>
      %ge3A_118 = arith.cmpi sge, %get3A_104, %ge3A_117 : vector<16xi32>
      %select_n3A_119 = arith.select %ge3A_118, %gather3A_111, %get3A_115 : vector<16xi1>, vector<16xf32>
      %mul3A_120 = arith.constant 16 : i32
      %mul3A_121 = arith.muli %scan3A_100, %mul3A_120 : i32
      %swap3A_122 = arith.index_cast %mul3A_121 : i32 to index
      %swap3A_123 = tpu.vector_load %arg9[%swap3A_122] {strides = array<i32>} : memref<4096xf32, #tpu.memory_space<vmem>>, vector<16xf32>,
      tpu.vector_store %arg9[%swap3A_122], %select_n3A_119 {strides = array<i32>} : memref<4096xf32, #tpu.memory_space<vmem>>, vector<16xf32>,
      %scan3A_124 = arith.constant 2 : i32
      %scan3A_125 = arith.addi %scan3A_82, %scan3A_124 : i32
      %mul3A_126 = arith.constant 16 : i32
      %mul3A_127 = arith.muli %scan3A_125, %mul3A_126 : i32
      %get3A_128 = arith.index_cast %mul3A_127 : i32 to index
      %get3A_129 = tpu.vector_load %arg5[%get3A_128] {strides = array<i32>} : memref<4096xi32, #tpu.memory_space<vmem>>, vector<16xi32>,
      %sub3A_130 = arith.constant 49920 : i32
      %sub3A_131 = vector.broadcast %sub3A_130 : i32 to vector<16xi32>
      %sub3A_132 = arith.subi %get3A_129, %sub3A_131 : vector<16xi32>
      %max3A_133 = arith.constant 0 : i32
      %max3A_134 = vector.broadcast %max3A_133 : i32 to vector<16xi32>
      %max3A_135 = arith.maxsi %sub3A_132, %max3A_134 : vector<16xi32>
      %gather3A_136 = tpu.vector_load_idx %arg7[%max3A_135] : memref<50080xf32, #tpu.memory_space<vmem>>[vector<16xi32>], vector<16xf32>,
      %mul3A_137 = arith.constant 16 : i32
      %mul3A_138 = arith.muli %scan3A_125, %mul3A_137 : i32
      %get3A_139 = arith.index_cast %mul3A_138 : i32 to index
      %get3A_140 = tpu.vector_load %arg9[%get3A_139] {strides = array<i32>} : memref<4096xf32, #tpu.memory_space<vmem>>, vector<16xf32>,
      %ge3A_141 = arith.constant 49920 : i32
      %ge3A_142 = vector.broadcast %ge3A_141 : i32 to vector<16xi32>
      %ge3A_143 = arith.cmpi sge, %get3A_129, %ge3A_142 : vector<16xi32>
      %select_n3A_144 = arith.select %ge3A_143, %gather3A_136, %get3A_140 : vector<16xi1>, vector<16xf32>
      %mul3A_145 = arith.constant 16 : i32
      %mul3A_146 = arith.muli %scan3A_125, %mul3A_145 : i32
      %swap3A_147 = arith.index_cast %mul3A_146 : i32 to index
      %swap3A_148 = tpu.vector_load %arg9[%swap3A_147] {strides = array<i32>} : memref<4096xf32, #tpu.memory_space<vmem>>, vector<16xf32>,
      tpu.vector_store %arg9[%swap3A_147], %select_n3A_144 {strides = array<i32>} : memref<4096xf32, #tpu.memory_space<vmem>>, vector<16xf32>,
      %scan3A_149 = arith.constant 3 : i32
      %scan3A_150 = arith.addi %scan3A_82, %scan3A_149 : i32
      %mul3A_151 = arith.constant 16 : i32
      %mul3A_152 = arith.muli %scan3A_150, %mul3A_151 : i32
      %get3A_153 = arith.index_cast %mul3A_152 : i32 to index
      %get3A_154 = tpu.vector_load %arg5[%get3A_153] {strides = array<i32>} : memref<4096xi32, #tpu.memory_space<vmem>>, vector<16xi32>,
      %sub3A_155 = arith.constant 49920 : i32
      %sub3A_156 = vector.broadcast %sub3A_155 : i32 to vector<16xi32>
      %sub3A_157 = arith.subi %get3A_154, %sub3A_156 : vector<16xi32>
      %max3A_158 = arith.constant 0 : i32
      %max3A_159 = vector.broadcast %max3A_158 : i32 to vector<16xi32>
      %max3A_160 = arith.maxsi %sub3A_157, %max3A_159 : vector<16xi32>
      %gather3A_161 = tpu.vector_load_idx %arg7[%max3A_160] : memref<50080xf32, #tpu.memory_space<vmem>>[vector<16xi32>], vector<16xf32>,
      %mul3A_162 = arith.constant 16 : i32
      %mul3A_163 = arith.muli %scan3A_150, %mul3A_162 : i32
      %get3A_164 = arith.index_cast %mul3A_163 : i32 to index
      %get3A_165 = tpu.vector_load %arg9[%get3A_164] {strides = array<i32>} : memref<4096xf32, #tpu.memory_space<vmem>>, vector<16xf32>,
      %ge3A_166 = arith.constant 49920 : i32
      %ge3A_167 = vector.broadcast %ge3A_166 : i32 to vector<16xi32>
      %ge3A_168 = arith.cmpi sge, %get3A_154, %ge3A_167 : vector<16xi32>
      %select_n3A_169 = arith.select %ge3A_168, %gather3A_161, %get3A_165 : vector<16xi1>, vector<16xf32>
      %mul3A_170 = arith.constant 16 : i32
      %mul3A_171 = arith.muli %scan3A_150, %mul3A_170 : i32
      %swap3A_172 = arith.index_cast %mul3A_171 : i32 to index
      %swap3A_173 = tpu.vector_load %arg9[%swap3A_172] {strides = array<i32>} : memref<4096xf32, #tpu.memory_space<vmem>>, vector<16xf32>,
      tpu.vector_store %arg9[%swap3A_172], %select_n3A_169 {strides = array<i32>} : memref<4096xf32, #tpu.memory_space<vmem>>, vector<16xf32>,
    }
    %scan3A_75 = arith.constant 256 : i32
    %dma_wait3A_76 = arith.constant 0 : i32
    %dma_wait3A_77 = tpu.memref_slice %arg4[%mul3A_2, %dma_wait3A_76] : memref<64x4096xf32, #tpu.memory_space<hbm>> -> memref<1x4096xf32, #tpu.memory_space<hbm>>
    %dma_wait3A_78 = tpu.memref_squeeze %dma_wait3A_77 : memref<1x4096xf32, #tpu.memory_space<hbm>> -> memref<4096xf32, #tpu.memory_space<hbm>>
    %dma_wait3A_79 = arith.constant 0 : i32
    %dma_wait3A_80 = tpu.memref_slice %arg4[%mul3A_2, %dma_wait3A_79] : memref<64x4096xf32, #tpu.memory_space<hbm>> -> memref<1x4096xf32, #tpu.memory_space<hbm>>
    %dma_wait3A_81 = tpu.memref_squeeze %dma_wait3A_80 : memref<1x4096xf32, #tpu.memory_space<hbm>> -> memref<4096xf32, #tpu.memory_space<hbm>>
    tpu.wait_dma2 semaphore(%arg13 : memref<!tpu.dma_semaphore, #tpu.memory_space<semaphore_mem>>) src(%arg8 : memref<4096xf32, #tpu.memory_space<vmem>>) dst(%dma_wait3A_81 : memref<4096xf32, #tpu.memory_space<hbm>>)
    "tpu.region"() ({
      %run_scoped3A = tpu.sem_alloc : memref<!tpu.dma_semaphore, #tpu.memory_space<semaphore_mem>>
      %dma_start3A_82 = arith.constant 0 : i32
      %dma_start3A_83 = tpu.memref_slice %arg4[%add3A_4, %dma_start3A_82] : memref<64x4096xf32, #tpu.memory_space<hbm>> -> memref<1x4096xf32, #tpu.memory_space<hbm>>
      %dma_start3A_84 = tpu.memref_squeeze %dma_start3A_83 : memref<1x4096xf32, #tpu.memory_space<hbm>> -> memref<4096xf32, #tpu.memory_space<hbm>>
      %dma_start3A_85 = arith.constant 0 : i32
      %dma_start3A_86 = tpu.memref_slice %arg4[%add3A_4, %dma_start3A_85] : memref<64x4096xf32, #tpu.memory_space<hbm>> -> memref<1x4096xf32, #tpu.memory_space<hbm>>
      %dma_start3A_87 = tpu.memref_squeeze %dma_start3A_86 : memref<1x4096xf32, #tpu.memory_space<hbm>> -> memref<4096xf32, #tpu.memory_space<hbm>>
      tpu.enqueue_dma source(%arg9 : memref<4096xf32, #tpu.memory_space<vmem>>) target(%dma_start3A_87 : memref<4096xf32, #tpu.memory_space<hbm>>) target_semaphore(%run_scoped3A : memref<!tpu.dma_semaphore, #tpu.memory_space<semaphore_mem>>)
      %dma_wait3A_88 = arith.constant 0 : i32
      %dma_wait3A_89 = tpu.memref_slice %arg4[%add3A_4, %dma_wait3A_88] : memref<64x4096xf32, #tpu.memory_space<hbm>> -> memref<1x4096xf32, #tpu.memory_space<hbm>>
      %dma_wait3A_90 = tpu.memref_squeeze %dma_wait3A_89 : memref<1x4096xf32, #tpu.memory_space<hbm>> -> memref<4096xf32, #tpu.memory_space<hbm>>
      %dma_wait3A_91 = arith.constant 0 : i32
      %dma_wait3A_92 = tpu.memref_slice %arg4[%add3A_4, %dma_wait3A_91] : memref<64x4096xf32, #tpu.memory_space<hbm>> -> memref<1x4096xf32, #tpu.memory_space<hbm>>
      %dma_wait3A_93 = tpu.memref_squeeze %dma_wait3A_92 : memref<1x4096xf32, #tpu.memory_space<hbm>> -> memref<4096xf32, #tpu.memory_space<hbm>>
      tpu.wait_dma2 semaphore(%run_scoped3A : memref<!tpu.dma_semaphore, #tpu.memory_space<semaphore_mem>>) src(%arg9 : memref<4096xf32, #tpu.memory_space<vmem>>) dst(%dma_wait3A_93 : memref<4096xf32, #tpu.memory_space<hbm>>)
      tpu.yield
    }) : () -> ()
    return
  }
}

</mosaic_0001>

<sc_bundles>
// kernel: kernel.3.cloned.1.call-start
scs
__scs_entry_jumppad:
0x0: {  	(pc) =	sbr.rel $0x88, $3  }
0x1: {  	(tag) =	ssettag $0x0;
	lr =	simm.s32 $0x1  }
0x2: {  	[smem:$0x3F9F] =	sst lr;
	_ =	strace $0xD0000000  }
0x3: {  	_ = 	snop  }
0x4: {  	_ = 	snop  }
0x5: {  	_ = 	snop  }
0x6: {  	_ = 	snop  }
0x7: {  	_ = 	snop  }
__scs_overlays_trampoline_lowered:
0x8: {  	[smem:$0x3FAE] =	sst s0  }
0x9: {  	[smem:$0x3FAF] =	sst s1  }
0xa: {  	[smem:$0x3FB0] =	sst s2  }
0xb: {  	[smem:$0x3FB1] =	sst s3  }
0xc: {  	[smem:$0x3FB2] =	sst s4  }
0xd: {  	[smem:$0x3FB3] =	sst s5  }
0xe: {  	[smem:$0x3FB4] =	sst s6  }
0xf: {  	[smem:$0x3FB5] =	sst s7  }
0x10: {  	[smem:$0x3FB6] =	sst s8  }
0x11: {  	[smem:$0x3FB7] =	sst s9;
	s0 =	simm.s32 @!p0 $0x0  }
0x12: {  	s1 =	sld [smem:$0x3F9D];
	s0 =	simm.s32 @p0 $0x1  }
0x13: {  	[smem:$0x3FB8] =	sst s0;
	s0 =	simm.s32 @!p1 $0x0  }
0x14: {  	s2 =	sld [smem:$0x3F9C];
	s0 =	simm.s32 @p1 $0x1  }
0x15: {  	[smem:$0x3FB9] =	sst s0;
	s0 =	simm.s32 @!p2 $0x0  }
0x16: {  	s3 =	sld [smem:$0x3FDB];
	s0 =	simm.s32 @p2 $0x1  }
0x17: {  	s4 =	simm.s32 $0x1BF5;
	[smem:$0x3FBB] =	sst s0  }
0x18: {  	s0 =	sld [smem:$0x3F9E];
	_ =	swait.ge [sflag:s4], $0x0  }
0x19: {  	s7 =	sld [smem:$0x3F9F]  }
0x1a: {  	s8 =	sadd.s32 $0xFFFFE003, lr  }
0x1b: {  	s9 =	sadd.s32 $0xFFFFFEF7, lr;
	s5 =	simm.s32 $0xFFFFFFFF;
	p2 =	slt.u32 s8, $0xFFFFF086  }
0x1c: {  	p1 =	slt.u32 s9, $0xF7A;
	s5 =	simm.s32 @!p2 $0x0  }
0x1d: {  	s5 =	simm.s32 @p1 $0x1;
	p0 =	seq.s32 s7, s2  }
0x1e: {  	s7 =	smul.u32 @!p0 $0xF7A, s2;
	p2 =	seq.s32 @!p0 s5, $0x0  }
0x1f: {  	s9 =	smul.u32 $0xF7A, s1;
	s8 =	simm.s32 @!p0 $0x1BF5;
	p2 =	por !p2, p0  }
0x20: {  	[sflag:s8] =	ssyncset.s32 @!p0 $0xFFFFF086;
	s6 =	sadd.s32 @!p0 s3, s7;
	s7 =	simm.s32 @!p0 $0x108  }
0x21: {  	s3 =	sadd.s32 s3, s9;
	s6 =	sadd.s32 @!p0 $0x88, s6;
	s7 =	simm.s32 @p2 $0x1082  }
0x22: {  	[simem:s7], [sflag:s8] =	dma.local @!p0 [hbm:s6], $0xF7A  }
0x23: {  	s9 =	sor.u32 $0xD0000000, s2;
	s6 =	simm.s32 $0x108;
	_ =	swait.ge @!p0 [sflag:s8], $0x0  }
0x24: {  	s3 =	sadd.s32 $0x88, s3;
	s6 =	simm.s32 @!p1 $0x1082;
	[sflag:s4] =	ssyncset.s32 $0xFFFFF086  }
0x25: {  	[simem:s6], [sflag:s4] =	dma.local [hbm:s3], $0xF7A  }
0x26: {  	[smem:$0x3F9F] =	sst s1;
	(tag) =	ssettag s2;
	_ =	strace s9  }
0x27: {  	s1 =	sld [smem:$0x3FAF]  }
0x28: {  	s2 =	sld [smem:$0x3FB0]  }
0x29: {  	s4 =	sld [smem:$0x3FB2]  }
0x2a: {  	p0 =	seq.s32 s5, $0x0;
	s5 =	sld [smem:$0x3FB3]  }
0x2b: {  	s6 =	sld [smem:$0x3FB4]  }
0x2c: {  	s7 =	sld [smem:$0x3FB5]  }
0x2d: {  	s3 =	simm.s32 $0x108;
	s8 =	sld [smem:$0x3FB6]  }
0x2e: {  	s3 =	simm.s32 @!p0 $0x1082;
	s9 =	sld [smem:$0x3FB7]  }
0x2f: {  	lr =	sadd.s32 s0, s3;
	s0 =	sld [smem:$0x3FAE]  }
0x30: {  	s3 =	sld [smem:$0x3FB1]  }
0x31: {  	[smem:$0x3FBA] =	sst s10  }
0x32: {  	s10 =	sld [smem:$0x3FB8];
	_ =	sdelay $0x3  }
0x33: {  	p0 =	seq.s32 s10, $0x1;
	s10 =	sld [smem:$0x3FBA];
	_ =	sdelay $0x3  }
0x34: {  	[smem:$0x3FBA] =	sst s10  }
0x35: {  	s10 =	sld [smem:$0x3FB9];
	_ =	sdelay $0x3  }
0x36: {  	p1 =	seq.s32 s10, $0x1;
	s10 =	sld [smem:$0x3FBA];
	_ =	sdelay $0x3  }
0x37: {  	[smem:$0x3FBA] =	sst s10  }
0x38: {  	s10 =	sld [smem:$0x3FBB]  }
0x39: {  	_ = 	snop;
	(pc) =	sbr.ind lr, $3  }
0x3a: {  	_ = 	snop  }
0x3b: {  	_ = 	snop  }
0x3c: {  	p2 =	seq.s32 s10, $0x1;
	s10 =	sld [smem:$0x3FBA]  }
0x3d: {  	_ =	shalt  }
0x3e: {  	_ =	shalt  }
0x3f: {  	_ =	shalt  }
0x40: {  	_ =	shalt  }
0x41: {  	_ =	shalt  }
0x42: {  	_ =	shalt  }
0x43: {  	_ =	shalt  }
0x44: {  	_ =	shalt  }
0x45: {  	_ =	shalt  }
0x46: {  	_ =	shalt  }
0x47: {  	_ =	shalt  }
0x48: {  	_ =	shalt  }
0x49: {  	_ =	shalt  }
0x4a: {  	_ =	shalt  }
0x4b: {  	_ =	shalt  }
0x4c: {  	_ =	shalt  }
0x4d: {  	_ =	shalt  }
0x4e: {  	_ =	shalt  }
0x4f: {  	_ =	shalt  }
0x50: {  	_ =	shalt  }
0x51: {  	_ =	shalt  }
0x52: {  	_ =	shalt  }
0x53: {  	_ =	shalt  }
0x54: {  	_ =	shalt  }
0x55: {  	_ =	shalt  }
0x56: {  	_ =	shalt  }
0x57: {  	_ =	shalt  }
0x58: {  	_ =	shalt  }
0x59: {  	_ =	shalt  }
0x5a: {  	_ =	shalt  }
0x5b: {  	_ =	shalt  }
0x5c: {  	_ =	shalt  }
0x5d: {  	_ =	shalt  }
0x5e: {  	_ =	shalt  }
0x5f: {  	_ =	shalt  }
0x60: {  	_ =	shalt  }
0x61: {  	_ =	shalt  }
0x62: {  	_ =	shalt  }
0x63: {  	_ =	shalt  }
0x64: {  	_ =	shalt  }
0x65: {  	_ =	shalt  }
0x66: {  	_ =	shalt  }
0x67: {  	_ =	shalt  }
0x68: {  	_ =	shalt  }
0x69: {  	_ =	shalt  }
0x6a: {  	_ =	shalt  }
0x6b: {  	_ =	shalt  }
0x6c: {  	_ =	shalt  }
0x6d: {  	_ =	shalt  }
0x6e: {  	_ =	shalt  }
0x6f: {  	_ =	shalt  }
0x70: {  	_ =	shalt  }
0x71: {  	_ =	shalt  }
0x72: {  	_ =	shalt  }
0x73: {  	_ =	shalt  }
0x74: {  	_ =	shalt  }
0x75: {  	_ =	shalt  }
0x76: {  	_ =	shalt  }
0x77: {  	_ =	shalt  }
0x78: {  	_ =	shalt  }
0x79: {  	_ =	shalt  }
0x7a: {  	_ =	shalt  }
0x7b: {  	_ =	shalt  }
0x7c: {  	_ =	shalt  }
0x7d: {  	_ =	shalt  }
0x7e: {  	_ =	shalt  }
0x7f: {  	_ =	shalt  }
0x80: {  	_ =	shalt  }
0x81: {  	_ =	shalt  }
0x82: {  	_ =	shalt  }
0x83: {  	_ =	shalt  }
0x84: {  	_ =	shalt  }
0x85: {  	_ =	shalt  }
0x86: {  	_ =	shalt  }
0x87: {  	_ =	shalt  }
.Lfunc_end0:
.L_simem_size_0:
called_computation_lowered:
.L_overlay_start_0:
0x88: {  	s2 =	sld [smem:$0x3FD9]  }
0x89: {  	s3 =	sld [smem:$0x3FFE];
	_ =	sdelay $0x1  }
0x8a: {  	s1 =	srdreg.scid  }
0x8b: {  	s0 =	sand.u32 $0x1, s1  }
0x8c: {  	s18 =	sshll.u32 s0, $0xA;
	s2 =	sadd.s32 s3, s2  }
0x8d: {  	s2 =	sadd.s32 s2, s18  }
0x8e: {  	[smem:$0x3FC6] =	sst s2  }
0x8f: {  	_ = 	snop  }
0x90: {  	s2 =	sld [smem:$0x3FC9]  }
0x91: {  	s19 =	sld [smem:$0x3FC8]  }
0x92: {  	s4 =	sld [smem:$0x3FD0];
	(tm) =	ssettm $0x1  }
0x93: {  	s5 =	sld [smem:$0x3FFB];
	_ =	sdelay $0x3  }
0x94: {  	_ =	strace s5  }
0x95: {  	s5 =	sld [smem:$0x3FFC];
	_ =	sdelay $0x3  }
0x96: {  	_ =	strace s5  }
0x97: {  	s5 =	sld [smem:$0x3FFD];
	_ =	sdelay $0x3  }
0x98: {  	_ =	strace s5  }
0x99: {  	_ =	strace $0x8FFFFFFF  }
0x9a: {  	s20 =	sld [smem:$0x3FDB];
	_ =	sdelay $0x1  }
0x9b: {  	s6 =	simm.s32 $_scs_section_size  }
0x9c: {  	s7 =	simm.s32 $_size__tile_overlayer_lowered;
	s8 =	simm.s32 $_tile_overlayer_lowered  }
0x9d: {  	s23 =	simm.s32 $0x1BFF;
	s22 =	sshll.u32 s8, $0x1;
	s5 =	sadd.s32 s6, s20  }
0x9e: {  	s9 =	simm.s32 $0x0;
	s21 =	sshll.u32 s7, $0x1;
	s7 =	sadd.s32 s22, s5  }
0x9f: {  	[timem:s9], [sflag:s23] =	dma.local [hbm:s7], s21  }
0xa0: {  	_ =	swait.ge [sflag:s23], s21  }
0xa1: {  	s6 =	ssub.s32 $0x0, s21;
	[sflag:s23] =	ssyncset.done $0x0  }
0xa2: {  	[sflag:s23] =	ssyncadd.s32 s6;
	_ =	sdelay $0x1  }
0xa3: {  	s24 =	simm.s32 $0x1B8B  }
0xa4: {  	_ =	swait.ge [sflag:s24], $0x1  }
0xa5: {  	[sflag:s24] =	ssyncset.done $0x0  }
0xa6: {  	s25 =	simm.s32 $0x1B8E;
	[sflag:s24] =	ssyncadd.s32 $0xFFFFFFFF  }
0xa7: {  	s26 =	simm.s32 $execute0_lowered;
	[smem:$0x3FD2] =	sst s25  }
0xa8: {  	s6 =	sshll.u32 s26, $0x1;
	_ =	strace $0x80000046;
	[dreg:$0x1] =	wrdreg $0xFFFFFFFF  }
0xa9: {  	s28 =	simm.s32 $_size_execute0_lowered;
	s5 =	sadd.s32 s5, s6;
	[dreg:$0x0] =	wrdreg $0x0  }
0xaa: {  	s6 =	sshll.u32 s28, $0x1;
	[dreg:$0x2] =	wrdreg s5  }
0xab: {  	[dreg:$0x3] =	wrdreg s6  }
0xac: {  	[dreg:$0x4] =	wrdreg $0xC0  }
0xad: {  	_ =	task [dreg:s9], $0x5FFFF  }
0xae: {  	[dreg:$0x1] =	wrdreg $0xFFFFFFFF  }
0xaf: {  	[dreg:$0x0] =	wrdreg $0x60  }
0xb0: {  	[dreg:$0x2] =	wrdreg s19  }
0xb1: {  	[dreg:$0x3] =	wrdreg s2  }
0xb2: {  	[dreg:$0x4] =	wrdreg s4  }
0xb3: {  	[dreg:$0x5] =	wrdreg $0x9  }
0xb4: {  	_ =	task.clear_ibuf [dreg:s9], $0x6FFFF;
	_ =	strace $0x90000046  }
0xb5: {  	s29 =	simm.s32 $0x9;
	_ =	strace $0x80000048  }
0xb6: {  	_ =	swait.ge [sflag:s29], $0x1  }
0xb7: {  	[sflag:s29] =	ssyncadd.s32 $0xFFFFFFFF  }
0xb8: {  	_ =	strace $0x90000048  }
0xb9: {  	_ =	sfence  }
0xba: {  	s30 =	sld [smem:$0x0];
	_ =	sdelay $0x2  }
0xbb: {  	s31 =	sshll.u32 s1, $0xD;
	s1 =	sshrl.u32 s1, $0x2  }
0xbc: {  	s3 =	sand.u32 $0x4000, s31;
	s1 =	sadd.s32 s1, s30  }
0xbd: {  	s0 =	sor.u32 s3, s0;
	s1 =	sshll.u32 s1, $0x11  }
0xbe: {  	s0 =	sor.u32 s1, s0  }
0xbf: {  	s0 =	sadd.s32 $0x8F2B, s0  }
0xc0: {  	[sflag:s0] =	ssyncadd.remote.s32 $0x1  }
0xc1: {  	_ =	sfence.sel $0xFFFF  }
0xc2: {  	[dreg:$0x0] =	wrdreg $0xFFFFFFFF;
	(pc) =	sbr.abs _section_cstart, $3  }
0xc3: {  	[dreg:$0x1] =	wrdreg $0xFFFFFFFF  }
0xc4: {  	_ =	task.clear_ibuf [dreg:s9], $0x2FFFF;
	_ =	strace $0x9FFFFFFF  }
0xc5: {  	(tm) =	ssettm $0x7FFFFFFF  }
tec
execute0_lowered:
.L_overlay_start_1:
0x0: {  	(tag) =	ssettag $0x1  }
0x1: {  	s7 =	rddreg [dreg:$0x0]  }
0x2: {  	s1 =	rddreg [dreg:$0x1]  }
0x3: {  	s9 =	rddreg [dreg:$0x2]  }
0x4: {  	s0 =	rddreg [dreg:$0x3];
	s3 =	simm.s32 $0x0  }
0x5: {  	s4 =	srdreg.scid;
	s2 =	stileid.u32;
	s15 =	simm.s32 $0x1  }
0x6: {  	s16 =	simm.s32 $0x2;
	s17 =	simm.s32 $0x3;
	s18 =	simm.s32 $0x19700  }
0x7: {  	s19 =	simm.s32 $0x4;
	s20 =	simm.s32 $0x1A700;
	s21 =	simm.s32 $0x5  }
0x8: {  	s22 =	simm.s32 $0x0;
	[smem:$0x7FF] =	sst s3;
	s4 =	sand.u32 $0x1, s4  }
0x9: {  	s8 =	sshrl.u32 s2, $0x1;
	s6 =	sshll.u32 s2, $0x9;
	_ =	strace $0x80000047  }
0xa: {  	s5 =	ssub.s32 $0x2, s4;
	s10 =	smul.u32 $0xC3800, s8;
	s4 =	sshll.u32 s4, $0x8  }
0xb: {  	s6 =	sand.u32 $0x200, s6;
	s8 =	sshll.u32 s8, $0xF;
	s11 =	sshrl.u32 s5, $0x1  }
0xc: {  	s12 =	sor.u32 s4, s6;
	s11 =	ssub.s32 s5, s11;
	s13 =	sadd.s32 $0x61800, s10  }
0xd: {  	s4 =	sor.u32 s10, s12;
	s14 =	sor.u32 $0x80, s12;
	s26 =	sor.u32 s12, s13  }
0xe: {  	s4 =	sshrl.u32 s4, $0x3;
	s28 =	sor.u32 s10, s14;
	s29 =	sor.u32 s13, s14  }
0xf: {  	s12 =	sor.u32 s8, s12;
	s8 =	sor.u32 s8, s14;
	s13 =	simm.s32 $0x1000  }
0x10: {  	s14 =	simm.s32 $0xD300;
	s5 =	sshrl.u32 s26, $0x3;
	s4 =	sadd.s32 s7, s4  }
0x11: {  	s6 =	sshrl.u32 s28, $0x3;
	s10 =	sshrl.u32 s29, $0x3;
	s30 =	sshrl.u32 s12, $0x3  }
0x12: {  	s31 =	sshrl.u32 s8, $0x3;
	s12 =	simm.s32 $0x400;
	s5 =	sadd.s32 s7, s5  }
0x13: {  	s6 =	sadd.s32 s7, s6;
	s7 =	sadd.s32 s7, s10;
	s8 =	sadd.s32 s9, s30  }
0x14: {  	s9 =	sadd.s32 s9, s31;
	s10 =	smax.u32 s11, $0x1;
	s11 =	simm.s32 $0x80  }
.LBB2_1:
0x15: {  	[tilespmem:s3], [sflag:$0x1] =	stream.linear.gather [hbm4b:s1+s3], $0x1000, $0x38;
	[tilespmem:$0x1B700] =	vst v63  }
0x16: {  	_ = 	snop  }
0x17: {  	[tilespmem:s13], [sflag:$0x2] =	stream.strided.gather [hbm4b:s4+s11], $0xC300, s12, s11, $0x38;
	[tilespmem:$0x1B700] =	vst v63  }
0x18: {  	_ = 	snop  }
0x19: {  	[tilespmem:s14], [sflag:$0x3] =	stream.strided.gather [hbm4b:s5+s11], $0xC400, s12, s11, $0x38;
	[tilespmem:$0x1B700] =	vst v63  }
0x1a: {  	_ =	swait.ge [sflag:s15], $0x1000  }
0x1b: {  	[sflag:s15] =	ssyncset.done $0x0  }
0x1c: {  	[sflag:s15] =	ssyncadd.s32 $0xFFFFF000  }
0x1d: {  	_ =	swait.ge [sflag:s16], $0xC300  }
0x1e: {  	s23 =	simm.s32 $0xFFFFFFFC;
	[sflag:s16] =	ssyncset.done $0x0  }
0x1f: {  	s24 =	simm.s32 $0x19720;
	s25 =	simm.s32 $0x20;
	[sflag:s16] =	ssyncadd.s32 $0xFFFF3D00  }
.LBB2_2:
0x20: {  	v0 =	vld [tilespmem:s25+$0xFFFFFFE0];
	_ =	sdelay $0x4  }
0x21: {  	vm0 =	vlt.s32 v0, $0xC2FF  }
0x22: {  	v0 =	vnsel vm0, $0xC2FF, v0;
	_ =	sdelay $0x4  }
0x23: {  	v0 =	vld.idx.msk [tilespmem:v0+s13+$0x0], $0xffff;
	_ =	sdelay $0x4  }
0x24: {  	[tilespmem:s24+$0xFFFFFFE0] =	vst v0  }
0x25: {  	v0 =	vld [tilespmem:s25+$0xFFFFFFF0];
	_ =	sdelay $0x4  }
0x26: {  	vm13 =	vlt.s32 v0, $0xC2FF  }
0x27: {  	v0 =	vnsel vm13, $0xC2FF, v0;
	_ =	sdelay $0x4  }
0x28: {  	v0 =	vld.idx.msk [tilespmem:v0+s13+$0x0], $0xffff;
	_ =	sdelay $0x4  }
0x29: {  	[tilespmem:s24+$0xFFFFFFF0] =	vst v0  }
0x2a: {  	v0 =	vld [tilespmem:s25+$0x0];
	_ =	sdelay $0x4  }
0x2b: {  	vm14 =	vlt.s32 v0, $0xC2FF  }
0x2c: {  	v0 =	vnsel vm14, $0xC2FF, v0;
	_ =	sdelay $0x4  }
0x2d: {  	v0 =	vld.idx.msk [tilespmem:v0+s13+$0x0], $0xffff;
	_ =	sdelay $0x4  }
0x2e: {  	[tilespmem:s24+$0x0] =	vst v0  }
0x2f: {  	v0 =	vld [tilespmem:s25+$0x10];
	_ =	sdelay $0x4  }
0x30: {  	vm15 =	vlt.s32 v0, $0xC2FF  }
0x31: {  	v0 =	vnsel vm15, $0xC2FF, v0;
	_ =	sdelay $0x3  }
0x32: {  	s23 =	sadd.s32 $0x4, s23  }
0x33: {  	p0 =	slt.u32 s23, $0xFC;
	v0 =	vld.idx.msk [tilespmem:v0+s13+$0x0], $0xffff  }
.Ltmp0:
0x34: {  	_ = 	snop;
	(pc) =	sbr.rel @p0 .LBB2_2-.Ltmp0, $2  }
0x35: {  	_ =	sdelay $0x2  }
0x36: {  	s25 =	sadd.s32 $0x40, s25;
	[tilespmem:s24+$0x10] =	vst v0;
	s24 =	sadd.s32 $0x40, s24  }
0x37: {  	[tilespmem:s13], [sflag:$0x2] =	stream.strided.gather [hbm4b:s6+s11], $0xC300, s12, s11, $0x38;
	[tilespmem:$0x1B700] =	vst v63  }
0x38: {  	_ =	swait.ge [sflag:s17], $0xC400  }
0x39: {  	s23 =	simm.s32 $0xFFFFFFFC;
	[sflag:s17] =	ssyncset.done $0x0  }
0x3a: {  	s24 =	simm.s32 $0x19720;
	s25 =	simm.s32 $0x20;
	[sflag:s17] =	ssyncadd.s32 $0xFFFF3C00  }
.LBB2_4:
0x3b: {  	v0 =	vld [tilespmem:s25+$0xFFFFFFE0];
	_ =	sdelay $0x4  }
0x3c: {  	v1 =	vadd.s32 $0xFFFF3D00, v0  }
0x3d: {  	vm0 =	vgt.s32 v1, $0x0  }
0x3e: {  	v1 =	vnsel vm0, $0x0, v1;
	_ =	sdelay $0x3  }
0x3f: {  	v2 =	vld [tilespmem:s24+$0xFFFFFFE0]  }
0x40: {  	v1 =	vld.idx.msk [tilespmem:v1+s14+$0x0], $0xffff;
	_ =	sdelay $0x3  }
0x41: {  	vm9 =	vgt.s32 v0, $0xC2FF  }
0x42: {  	v0 =	vsel vm9, v1, v2  }
0x43: {  	[tilespmem:s24+$0xFFFFFFE0] =	vst v0  }
0x44: {  	v0 =	vld [tilespmem:s25+$0xFFFFFFF0];
	_ =	sdelay $0x4  }
0x45: {  	v58 =	vadd.s32 $0xFFFF3D00, v0  }
0x46: {  	vm10 =	vgt.s32 v58, $0x0  }
0x47: {  	v1 =	vnsel vm10, $0x0, v58;
	_ =	sdelay $0x3  }
0x48: {  	v59 =	vld [tilespmem:s24+$0xFFFFFFF0]  }
0x49: {  	v1 =	vld.idx.msk [tilespmem:v1+s14+$0x0], $0xffff;
	_ =	sdelay $0x3  }
0x4a: {  	vm11 =	vgt.s32 v0, $0xC2FF  }
0x4b: {  	v0 =	vsel vm11, v1, v59  }
0x4c: {  	[tilespmem:s24+$0xFFFFFFF0] =	vst v0  }
0x4d: {  	v0 =	vld [tilespmem:s25+$0x0];
	_ =	sdelay $0x4  }
0x4e: {  	v60 =	vadd.s32 $0xFFFF3D00, v0  }
0x4f: {  	vm12 =	vgt.s32 v60, $0x0  }
0x50: {  	v1 =	vnsel vm12, $0x0, v60;
	_ =	sdelay $0x3  }
0x51: {  	v61 =	vld [tilespmem:s24+$0x0]  }
0x52: {  	v1 =	vld.idx.msk [tilespmem:v1+s14+$0x0], $0xffff;
	_ =	sdelay $0x3  }
0x53: {  	vm13 =	vgt.s32 v0, $0xC2FF  }
0x54: {  	v0 =	vsel vm13, v1, v61  }
0x55: {  	[tilespmem:s24+$0x0] =	vst v0  }
0x56: {  	v0 =	vld [tilespmem:s25+$0x10];
	_ =	sdelay $0x4  }
0x57: {  	v62 =	vadd.s32 $0xFFFF3D00, v0  }
0x58: {  	vm14 =	vgt.s32 v62, $0x0  }
0x59: {  	v1 =	vnsel vm14, $0x0, v62;
	_ =	sdelay $0x3  }
0x5a: {  	v63 =	vld [tilespmem:s24+$0x10]  }
0x5b: {  	s23 =	sadd.s32 $0x4, s23;
	v1 =	vld.idx.msk [tilespmem:v1+s14+$0x0], $0xffff  }
0x5c: {  	p0 =	slt.u32 s23, $0xFC  }
.Ltmp1:
0x5d: {  	_ = 	snop;
	(pc) =	sbr.rel @p0 .LBB2_4-.Ltmp1, $4  }
0x5e: {  	_ = 	snop  }
0x5f: {  	vm15 =	vgt.s32 v0, $0xC2FF  }
0x60: {  	v0 =	vsel vm15, v1, v63  }
0x61: {  	s25 =	sadd.s32 $0x40, s25;
	[tilespmem:s24+$0x10] =	vst v0;
	s24 =	sadd.s32 $0x40, s24  }
0x62: {  	[tilespmem:s14], [sflag:$0x3] =	stream.strided.gather [hbm4b:s7+s11], $0xC400, s12, s11, $0x38;
	[tilespmem:$0x1B700] =	vst v63  }
0x63: {  	_ = 	snop  }
0x64: {  	[hbm4b:s8+s11] =	stream.strided.scatter [tilespmem:s18], [sflag:$0x4], $0x1000, s12, s11, $0x38;
	[tilespmem:$0x1B700] =	vst v63  }
0x65: {  	_ =	swait.ge [sflag:s16], $0xC300  }
0x66: {  	s23 =	simm.s32 $0xFFFFFFFC;
	[sflag:s16] =	ssyncset.done $0x0  }
0x67: {  	s24 =	simm.s32 $0x1A720;
	s25 =	simm.s32 $0x20;
	[sflag:s16] =	ssyncadd.s32 $0xFFFF3D00  }
.LBB2_6:
0x68: {  	v0 =	vld [tilespmem:s25+$0xFFFFFFE0];
	_ =	sdelay $0x4  }
0x69: {  	vm0 =	vlt.s32 v0, $0xC2FF  }
0x6a: {  	v0 =	vnsel vm0, $0xC2FF, v0;
	_ =	sdelay $0x4  }
0x6b: {  	v0 =	vld.idx.msk [tilespmem:v0+s13+$0x0], $0xffff;
	_ =	sdelay $0x4  }
0x6c: {  	[tilespmem:s24+$0xFFFFFFE0] =	vst v0  }
0x6d: {  	v0 =	vld [tilespmem:s25+$0xFFFFFFF0];
	_ =	sdelay $0x4  }
0x6e: {  	vm13 =	vlt.s32 v0, $0xC2FF  }
0x6f: {  	v0 =	vnsel vm13, $0xC2FF, v0;
	_ =	sdelay $0x4  }
0x70: {  	v0 =	vld.idx.msk [tilespmem:v0+s13+$0x0], $0xffff;
	_ =	sdelay $0x4  }
0x71: {  	[tilespmem:s24+$0xFFFFFFF0] =	vst v0  }
0x72: {  	v0 =	vld [tilespmem:s25+$0x0];
	_ =	sdelay $0x4  }
0x73: {  	vm14 =	vlt.s32 v0, $0xC2FF  }
0x74: {  	v0 =	vnsel vm14, $0xC2FF, v0;
	_ =	sdelay $0x4  }
0x75: {  	v0 =	vld.idx.msk [tilespmem:v0+s13+$0x0], $0xffff;
	_ =	sdelay $0x4  }
0x76: {  	[tilespmem:s24+$0x0] =	vst v0  }
0x77: {  	v0 =	vld [tilespmem:s25+$0x10];
	_ =	sdelay $0x4  }
0x78: {  	vm15 =	vlt.s32 v0, $0xC2FF  }
0x79: {  	v0 =	vnsel vm15, $0xC2FF, v0;
	_ =	sdelay $0x3  }
0x7a: {  	s23 =	sadd.s32 $0x4, s23  }
0x7b: {  	p0 =	slt.u32 s23, $0xFC;
	v0 =	vld.idx.msk [tilespmem:v0+s13+$0x0], $0xffff  }
.Ltmp2:
0x7c: {  	_ = 	snop;
	(pc) =	sbr.rel @p0 .LBB2_6-.Ltmp2, $2  }
0x7d: {  	_ =	sdelay $0x2  }
0x7e: {  	s25 =	sadd.s32 $0x40, s25;
	[tilespmem:s24+$0x10] =	vst v0;
	s24 =	sadd.s32 $0x40, s24  }
0x7f: {  	_ =	swait.ge [sflag:s17], $0xC400  }
0x80: {  	s23 =	simm.s32 $0xFFFFFFFC;
	[sflag:s17] =	ssyncset.done $0x0  }
0x81: {  	s24 =	simm.s32 $0x1A720;
	s25 =	simm.s32 $0x20;
	[sflag:s17] =	ssyncadd.s32 $0xFFFF3C00  }
.LBB2_8:
0x82: {  	v0 =	vld [tilespmem:s25+$0xFFFFFFE0];
	_ =	sdelay $0x4  }
0x83: {  	v1 =	vadd.s32 $0xFFFF3D00, v0  }
0x84: {  	vm0 =	vgt.s32 v1, $0x0  }
0x85: {  	v1 =	vnsel vm0, $0x0, v1;
	_ =	sdelay $0x3  }
0x86: {  	v2 =	vld [tilespmem:s24+$0xFFFFFFE0]  }
0x87: {  	v1 =	vld.idx.msk [tilespmem:v1+s14+$0x0], $0xffff;
	_ =	sdelay $0x3  }
0x88: {  	vm9 =	vgt.s32 v0, $0xC2FF  }
0x89: {  	v0 =	vsel vm9, v1, v2  }
0x8a: {  	[tilespmem:s24+$0xFFFFFFE0] =	vst v0  }
0x8b: {  	v0 =	vld [tilespmem:s25+$0xFFFFFFF0];
	_ =	sdelay $0x4  }
0x8c: {  	v58 =	vadd.s32 $0xFFFF3D00, v0  }
0x8d: {  	vm10 =	vgt.s32 v58, $0x0  }
0x8e: {  	v1 =	vnsel vm10, $0x0, v58;
	_ =	sdelay $0x3  }
0x8f: {  	v59 =	vld [tilespmem:s24+$0xFFFFFFF0]  }
0x90: {  	v1 =	vld.idx.msk [tilespmem:v1+s14+$0x0], $0xffff;
	_ =	sdelay $0x3  }
0x91: {  	vm11 =	vgt.s32 v0, $0xC2FF  }
0x92: {  	v0 =	vsel vm11, v1, v59  }
0x93: {  	[tilespmem:s24+$0xFFFFFFF0] =	vst v0  }
0x94: {  	v0 =	vld [tilespmem:s25+$0x0];
	_ =	sdelay $0x4  }
0x95: {  	v60 =	vadd.s32 $0xFFFF3D00, v0  }
0x96: {  	vm12 =	vgt.s32 v60, $0x0  }
0x97: {  	v1 =	vnsel vm12, $0x0, v60;
	_ =	sdelay $0x3  }
0x98: {  	v61 =	vld [tilespmem:s24+$0x0]  }
0x99: {  	v1 =	vld.idx.msk [tilespmem:v1+s14+$0x0], $0xffff;
	_ =	sdelay $0x3  }
0x9a: {  	vm13 =	vgt.s32 v0, $0xC2FF  }
0x9b: {  	v0 =	vsel vm13, v1, v61  }
0x9c: {  	[tilespmem:s24+$0x0] =	vst v0  }
0x9d: {  	v0 =	vld [tilespmem:s25+$0x10];
	_ =	sdelay $0x4  }
0x9e: {  	v62 =	vadd.s32 $0xFFFF3D00, v0  }
0x9f: {  	vm14 =	vgt.s32 v62, $0x0  }
0xa0: {  	v1 =	vnsel vm14, $0x0, v62;
	_ =	sdelay $0x3  }
0xa1: {  	v63 =	vld [tilespmem:s24+$0x10]  }
0xa2: {  	s23 =	sadd.s32 $0x4, s23;
	v1 =	vld.idx.msk [tilespmem:v1+s14+$0x0], $0xffff  }
0xa3: {  	p0 =	slt.u32 s23, $0xFC  }
.Ltmp3:
0xa4: {  	_ = 	snop;
	(pc) =	sbr.rel @p0 .LBB2_8-.Ltmp3, $4  }
0xa5: {  	_ = 	snop  }
0xa6: {  	vm15 =	vgt.s32 v0, $0xC2FF  }
0xa7: {  	v0 =	vsel vm15, v1, v63  }
0xa8: {  	s25 =	sadd.s32 $0x40, s25;
	[tilespmem:s24+$0x10] =	vst v0;
	s24 =	sadd.s32 $0x40, s24  }
0xa9: {  	_ =	swait.ge [sflag:s19], $0x1000;
	s22 =	sadd.s32 $0x1, s22  }
0xaa: {  	[sflag:s19] =	ssyncset.done $0x0;
	p0 =	sne.s32 s22, s10  }
.Ltmp4:
0xab: {  	[sflag:s19] =	ssyncadd.s32 $0xFFFFF000;
	(pc) =	sbr.rel @p0 .LBB2_1-.Ltmp4, $4  }
0xac: {  	[hbm4b:s9+s11] =	stream.strided.scatter [tilespmem:s20], [sflag:$0x5], $0x1000, s12, s11, $0x38;
	[tilespmem:$0x1B700] =	vst v63  }
0xad: {  	_ =	swait.ge [sflag:s21], $0x1000  }
0xae: {  	[sflag:s21] =	ssyncset.done $0x0  }
0xaf: {  	[sflag:s21] =	ssyncadd.s32 $0xFFFFF000  }
0xb0: {  	_ =	sfence.sel $0x180000  }
0xb1: {  	[bflag:$0x0] =	sbarrier.arrive $0xFFFF  }
0xb2: {  	p0 =	sne.s32 s2, $0x0;
	_ =	strace $0x90000047  }
0xb3: {  	s0 =	sadd.s32 @!p0 $0x100000, s0;
	[bflag:$0x2] =	sbarrier.arrive $0xFFFF  }
0xb4: {  	[sflag:s0] =	ssyncadd.tile.s32 @!p0 $0x1;
	_ =	shalt  }
.Lfunc_end2:
_tile_overlayer_lowered:
.L_overlay_start_2:
0xb5: {  	(tag) =	ssettag $0x2  }
0xb6: {  	s0 =	rddreg [dreg:$0x0];
	s2 =	stileid.u32  }
0xb7: {  	s1 =	rddreg [dreg:$0x1];
	p0 =	sne.s32 s2, $0x0  }
0xb8: {  	s3 =	rddreg [dreg:$0x2];
	[bflag:$0x3] =	sbarrier.arrive $0xFFFF;
	s2 =	simm.s32 @!p0 $0x1C05  }
0xb9: {  	[timem:s3], [sflag:s2] =	dma.local @!p0 [hbm:s0], s1  }
0xba: {  	s0 =	simm.s32 @!p0 $0x5  }
0xbb: {  	_ =	swait.ge @!p0 [sflag:s0], s1  }
0xbc: {  	s1 =	ssub.s32 @!p0 $0x0, s1;
	[sflag:s0] =	ssyncset.done @!p0 $0x0  }
0xbd: {  	[sflag:s0] =	ssyncadd.s32 @!p0 s1  }
0xbe: {  	[bflag:$0x3] =	sbarrier.arrive $0xFFFF  }
0xbf: {  	_ =	shalt  }

</sc_bundles>
